<compile_context>
chip_gen: v7x
topology: tpu7x:2x2x1
jax: 0.10.2.dev20260603
libtpu: 0.0.44.dev20260713+nightly
codegen_flags: <defaults>
</compile_context>

<pallas_src>
import functools

import jax
import jax.numpy as jnp
from jax import lax
from jax.experimental import pallas as pl
from jax.experimental.pallas import tpu as pltpu
from jax.experimental.pallas import tpu_sc as plsc

N_BASES = 4
L = 2048
BLOCK = 128
NUM_CORES = 1
NUM_SUBCORES = 16
NW = NUM_CORES * NUM_SUBCORES
ROWS_PER_W = L // NW
SC_BLK = 16


def _seq_body(seq_ref, seq_out_ref):
    i = pl.program_id(0)
    si = seq_ref[0, pl.ds(i * BLOCK, BLOCK)]
    sj = seq_ref[0, :]
    for c in range(N_BASES):
        seq_out_ref[c] = jnp.broadcast_to(
            (si[:, None] == c).astype(jnp.float32), (BLOCK, L))
    for c in range(N_BASES):
        seq_out_ref[c + N_BASES] = jnp.broadcast_to(
            (sj[None, :] == c).astype(jnp.float32), (BLOCK, L))


def _seq_out(seq2d):
    return pl.pallas_call(
        _seq_body,
        grid=(L // BLOCK,),
        in_specs=[pl.BlockSpec((1, L), lambda i: (0, 0))],
        out_specs=pl.BlockSpec((2 * N_BASES, BLOCK, L), lambda i: (0, i, 0)),
        out_shape=jax.ShapeDtypeStruct((2 * N_BASES, L, L), jnp.float32),
        compiler_params=pltpu.CompilerParams(
            dimension_semantics=("arbitrary",)),
    )(seq2d)


@functools.partial(
    pl.kernel,
    out_type=jax.ShapeDtypeStruct((1, L, L), jnp.float32),
    mesh=plsc.VectorSubcoreMesh(
        core_axis_name="c", subcore_axis_name="s",
        num_cores=NUM_CORES, num_subcores=NUM_SUBCORES),
    scratch_types=[
        pltpu.VMEM((SC_BLK,), jnp.int32),
        pltpu.VMEM((SC_BLK, L), jnp.float32),
    ],
    compiler_params=pltpu.CompilerParams(needs_layout_passes=False, skip_device_barrier=True),
)
def _idx_out_sc(pair_hbm, out_hbm, idx_v, buf_v):
    wid = lax.axis_index("s") * NUM_CORES + lax.axis_index("c")
    base = wid * ROWS_PER_W

    zeros16 = jnp.zeros((16,), jnp.float32)
    ones16 = jnp.ones((16,), jnp.float32)
    row_iota = lax.iota(jnp.int32, 16)

    def _zero_row(r, carry):
        def _zero_chunk(k, c):
            buf_v[r, pl.ds(k * 16, 16)] = zeros16
            return c
        return lax.fori_loop(0, L // 16, _zero_chunk, carry)
    lax.fori_loop(0, SC_BLK, _zero_row, 0)

    def _block(b, carry):
        r0 = base + b * SC_BLK
        pltpu.sync_copy(pair_hbm.at[pl.ds(r0, SC_BLK)], idx_v)
        cols = idx_v[...]
        plsc.store_scatter(buf_v, [row_iota, cols], ones16)
        pltpu.sync_copy(buf_v, out_hbm.at[0, pl.ds(r0, SC_BLK)])
        plsc.store_scatter(buf_v, [row_iota, cols], zeros16)
        return carry
    lax.fori_loop(0, ROWS_PER_W // SC_BLK, _block, 0)


def kernel(seq_idx, pair_idx):
    n = seq_idx.shape[0]
    seq_out = _seq_out(seq_idx.reshape(1, n))
    idx_out = _idx_out_sc(pair_idx)
    return (seq_out, idx_out)

# --- scband reference (transcript-rebuilt; emitter-appended) ---
"""Pipeline reference for scband-bpseq-embedding-89575837926135 (READ-ONLY COPY).

The authoritative reference and input builder live on the scoring server;
editing this copy changes nothing except your own understanding.
"""

import jax, jax.numpy as jnp
import numpy as np

N_BASES = 4
L = 2048


def setup_inputs(seed: int = 0) -> dict:
    key = jax.random.key(seed)
    k1, k2 = jax.random.split(key)
    # seq_idx: integer-encoded bases (a,c,g,u -> 0..3), stand-in for the parsed bpseq string
    seq_idx = jax.random.randint(k1, (L,), 0, N_BASES, dtype=jnp.int32)
    # pair_idx[i] = j-1 from the bpseq line 'i base j' (partner index of base i)
    pair_idx = jax.random.randint(k2, (L,), 0, L, dtype=jnp.int32)
    return {"seq_idx": seq_idx, "pair_idx": pair_idx}


def reference(seq_idx, pair_idx):
    n = seq_idx.shape[0]
    # SequenceEmbedding: one_hot = stack([BASE_DICT[char] for char in seq])
    one_hot = jax.nn.one_hot(seq_idx, N_BASES, dtype=jnp.float32)  # [L, 4]
    # out[:, i, j] = cat(one_hot[i], one_hot[j])  -> [2*N_BASES, L, L]
    oh_t = one_hot.T  # [4, L]
    oh_i = jnp.broadcast_to(oh_t[:, :, None], (N_BASES, n, n))
    oh_j = jnp.broadcast_to(oh_t[:, None, :], (N_BASES, n, n))
    seq_out = jnp.concatenate([oh_i, oh_j], axis=0)  # [8, L, L]
    # BpseqEmbedding: idx_out[i-1, j-1] = 1.0 (scatter-overwrite)
    idx_out = jnp.zeros((n, n), dtype=jnp.float32)
    idx_out = idx_out.at[jnp.arange(n), pair_idx].set(1.0)
    idx_out = idx_out.reshape(1, n, n)
    return (seq_out, idx_out)

if __name__ == "__main__":
    import jax
    _d = setup_inputs()
    print(jax.jit(kernel)(*tuple(_d.values())))

</pallas_src>

<mosaic_0001>
#map = affine_map<(d0, d1) -> (0)>
#map1 = affine_map<(d0, d1) -> (0, 0, 0)>
module attributes {stable_mosaic.version = 14 : i64} {
  func.func @_idx_out_sc(%arg0: i32, %arg1: i32, %arg2: memref<2048xi32, #tpu.memory_space<hbm>>, %arg3: memref<1x2048x2048xf32, #tpu.memory_space<hbm>>, %arg4: memref<16xi32, #tpu.memory_space<vmem>>, %arg5: memref<16x2048xf32, #tpu.memory_space<vmem>>) attributes {dimension_semantics = [#tpu.dimension_semantics<core_parallel>, #tpu.dimension_semantics<subcore_parallel>], iteration_bounds = array<i64: 1, 16>, scalar_prefetch = 0 : i64, scratch_operands = 2 : i64, tpu.core_type = #tpu.core_type<sc_vector_subcore>, window_params = [{transform_indices = #map}, {transform_indices = #map1}]} {
    %mul3A = arith.constant 1 : i32
    %mul3A_0 = arith.muli %arg1, %mul3A : i32
    %add3A = arith.addi %mul3A_0, %arg0 : i32
    %mul3A_1 = arith.constant 128 : i32
    %mul3A_2 = arith.muli %add3A, %mul3A_1 : i32
    %broadcast_in_dim3A = arith.constant 0.000000e+00 : f32
    %broadcast_in_dim3A_3 = vector.broadcast %broadcast_in_dim3A : f32 to vector<16xf32>
    %broadcast_in_dim3A_4 = arith.constant 1.000000e+00 : f32
    %broadcast_in_dim3A_5 = vector.broadcast %broadcast_in_dim3A_4 : f32 to vector<16xf32>
    %iota3A = tpu.iota {dimensions = array<i32: 0>} : vector<16xi32>
    %scan3A = arith.constant 0 : i32
    %scan3A_6 = arith.constant 0 : i32
    %scan3A_7 = arith.constant 16 : i32
    %scan3A_8 = arith.addi %scan3A_6, %scan3A_7 : i32
    %scan3A_9 = arith.constant 1 : i32
    scf.for %scan3A_17 = %scan3A_6 to %scan3A_8 step %scan3A_9  : i32 {
      %scan3A_18 = arith.constant 0 : i32
      %scan3A_19 = arith.constant 128 : i32
      %scan3A_20 = arith.addi %scan3A_18, %scan3A_19 : i32
      %scan3A_21 = arith.constant 1 : i32
      scf.for %scan3A_23 = %scan3A_18 to %scan3A_20 step %scan3A_21  : i32 {
        %mul3A_24 = arith.constant 16 : i32
        %mul3A_25 = arith.muli %scan3A_23, %mul3A_24 : i32
        %swap3A = arith.index_cast %scan3A_17 : i32 to index
        %swap3A_26 = arith.index_cast %mul3A_25 : i32 to index
        %swap3A_27 = tpu.vector_load %arg5[%swap3A, %swap3A_26] {strides = array<i32>} : memref<16x2048xf32, #tpu.memory_space<vmem>>, vector<16xf32>,
        tpu.vector_store %arg5[%swap3A, %swap3A_26], %broadcast_in_dim3A_3 {strides = array<i32>} : memref<16x2048xf32, #tpu.memory_space<vmem>>, vector<16xf32>,
      }
      %scan3A_22 = arith.constant 128 : i32
    }
    %scan3A_10 = arith.constant 16 : i32
    %scan3A_11 = arith.constant 0 : i32
    %scan3A_12 = arith.constant 0 : i32
    %scan3A_13 = arith.constant 8 : i32
    %scan3A_14 = arith.addi %scan3A_12, %scan3A_13 : i32
    %scan3A_15 = arith.constant 1 : i32
    scf.for %scan3A_17 = %scan3A_12 to %scan3A_14 step %scan3A_15  : i32 {
      %mul3A_18 = arith.constant 16 : i32
      %mul3A_19 = arith.muli %scan3A_17, %mul3A_18 : i32
      %add3A_20 = arith.addi %mul3A_2, %mul3A_19 : i32
      "tpu.region"() ({
        %run_scoped3A_22 = tpu.sem_alloc : memref<!tpu.dma_semaphore, #tpu.memory_space<semaphore_mem>>
        %dma_start3A = tpu.memref_slice %arg2[%add3A_20] : memref<2048xi32, #tpu.memory_space<hbm>> -> memref<16xi32, #tpu.memory_space<hbm>>
        %dma_start3A_23 = tpu.memref_slice %arg2[%add3A_20] : memref<2048xi32, #tpu.memory_space<hbm>> -> memref<16xi32, #tpu.memory_space<hbm>>
        tpu.enqueue_dma source(%dma_start3A_23 : memref<16xi32, #tpu.memory_space<hbm>>) target(%arg4 : memref<16xi32, #tpu.memory_space<vmem>>) target_semaphore(%run_scoped3A_22 : memref<!tpu.dma_semaphore, #tpu.memory_space<semaphore_mem>>)
        %dma_wait3A = tpu.memref_slice %arg2[%add3A_20] : memref<2048xi32, #tpu.memory_space<hbm>> -> memref<16xi32, #tpu.memory_space<hbm>>
        %dma_wait3A_24 = tpu.memref_slice %arg2[%add3A_20] : memref<2048xi32, #tpu.memory_space<hbm>> -> memref<16xi32, #tpu.memory_space<hbm>>
        tpu.wait_dma2 semaphore(%run_scoped3A_22 : memref<!tpu.dma_semaphore, #tpu.memory_space<semaphore_mem>>) src(%dma_wait3A_24 : memref<16xi32, #tpu.memory_space<hbm>>) dst(%arg4 : memref<16xi32, #tpu.memory_space<vmem>>)
        tpu.yield
      }) : () -> ()
      %get3A = arith.constant 0 : index
      %get3A_21 = tpu.vector_load %arg4[%get3A] {strides = array<i32>} : memref<16xi32, #tpu.memory_space<vmem>>, vector<16xi32>,
      tpu.vector_store_idx %arg5[%iota3A, %get3A_21], %broadcast_in_dim3A_5 : memref<16x2048xf32, #tpu.memory_space<vmem>>[vector<16xi32>, vector<16xi32>], vector<16xf32>,
      %run_scoped3A = arith.constant 0 : i32
      "tpu.region"() ({
        %run_scoped3A_22 = tpu.sem_alloc : memref<!tpu.dma_semaphore, #tpu.memory_space<semaphore_mem>>
        %dma_start3A = arith.constant 0 : i32
        %dma_start3A_23 = tpu.memref_slice %arg3[%run_scoped3A, %add3A_20, %dma_start3A] : memref<1x2048x2048xf32, #tpu.memory_space<hbm>> -> memref<1x16x2048xf32, #tpu.memory_space<hbm>>
        %dma_start3A_24 = tpu.memref_squeeze %dma_start3A_23 : memref<1x16x2048xf32, #tpu.memory_space<hbm>> -> memref<16x2048xf32, #tpu.memory_space<hbm>>
        %dma_start3A_25 = arith.constant 0 : i32
        %dma_start3A_26 = tpu.memref_slice %arg3[%run_scoped3A, %add3A_20, %dma_start3A_25] : memref<1x2048x2048xf32, #tpu.memory_space<hbm>> -> memref<1x16x2048xf32, #tpu.memory_space<hbm>>
        %dma_start3A_27 = tpu.memref_squeeze %dma_start3A_26 : memref<1x16x2048xf32, #tpu.memory_space<hbm>> -> memref<16x2048xf32, #tpu.memory_space<hbm>>
        tpu.enqueue_dma source(%arg5 : memref<16x2048xf32, #tpu.memory_space<vmem>>) target(%dma_start3A_27 : memref<16x2048xf32, #tpu.memory_space<hbm>>) target_semaphore(%run_scoped3A_22 : memref<!tpu.dma_semaphore, #tpu.memory_space<semaphore_mem>>)
        %dma_wait3A = arith.constant 0 : i32
        %dma_wait3A_28 = tpu.memref_slice %arg3[%run_scoped3A, %add3A_20, %dma_wait3A] : memref<1x2048x2048xf32, #tpu.memory_space<hbm>> -> memref<1x16x2048xf32, #tpu.memory_space<hbm>>
        %dma_wait3A_29 = tpu.memref_squeeze %dma_wait3A_28 : memref<1x16x2048xf32, #tpu.memory_space<hbm>> -> memref<16x2048xf32, #tpu.memory_space<hbm>>
        %dma_wait3A_30 = arith.constant 0 : i32
        %dma_wait3A_31 = tpu.memref_slice %arg3[%run_scoped3A, %add3A_20, %dma_wait3A_30] : memref<1x2048x2048xf32, #tpu.memory_space<hbm>> -> memref<1x16x2048xf32, #tpu.memory_space<hbm>>
        %dma_wait3A_32 = tpu.memref_squeeze %dma_wait3A_31 : memref<1x16x2048xf32, #tpu.memory_space<hbm>> -> memref<16x2048xf32, #tpu.memory_space<hbm>>
        tpu.wait_dma2 semaphore(%run_scoped3A_22 : memref<!tpu.dma_semaphore, #tpu.memory_space<semaphore_mem>>) src(%arg5 : memref<16x2048xf32, #tpu.memory_space<vmem>>) dst(%dma_wait3A_32 : memref<16x2048xf32, #tpu.memory_space<hbm>>)
        tpu.yield
      }) : () -> ()
      tpu.vector_store_idx %arg5[%iota3A, %get3A_21], %broadcast_in_dim3A_3 : memref<16x2048xf32, #tpu.memory_space<vmem>>[vector<16xi32>, vector<16xi32>], vector<16xf32>,
    }
    %scan3A_16 = arith.constant 8 : i32
    return
  }
}

module attributes {stable_mosaic.version = 14 : i64} {
  func.func @_seq_body(%arg0: i32, %arg1: memref<1x2048xi32, #tpu.memory_space<vmem>>, %arg2: memref<8x128x2048xf32, #tpu.memory_space<vmem>>) attributes {dimension_semantics = [#tpu.dimension_semantics<arbitrary>], iteration_bounds = array<i64: 16>, scalar_prefetch = 0 : i64, scratch_operands = 0 : i64, tpu.core_type = #tpu.core_type<tc>, window_params = [{pipeline_mode = #tpu.pipeline_mode<synchronous>, transform_indices = @transform_0, window_bounds = array<i64: 1, 2048>}, {transform_indices = @transform_1, window_bounds = array<i64: 8, 128, 2048>}]} {
    %mul3A = arith.constant 128 : i32
    %mul3A_0 = arith.muli %arg0, %mul3A : i32
    %get3A = arith.constant 0 : index
    %get3A_1 = arith.index_cast %mul3A_0 : i32 to index
    %get3A_2 = vector.load %arg1[%get3A, %get3A_1] : memref<1x2048xi32, #tpu.memory_space<vmem>>, vector<1x128xi32>
    %get3A_3 = vector.shape_cast %get3A_2 : vector<1x128xi32> to vector<128xi32>
    %get3A_4 = arith.constant 0 : index
    %get3A_5 = arith.constant 0 : index
    %get3A_6 = vector.load %arg1[%get3A_4, %get3A_5] : memref<1x2048xi32, #tpu.memory_space<vmem>>, vector<1x2048xi32>
    %get3A_7 = vector.shape_cast %get3A_6 : vector<1x2048xi32> to vector<2048xi32>
    %broadcast_in_dim3A = vector.shape_cast %get3A_3 : vector<128xi32> to vector<128x1xi32>
    %eq3A = arith.constant 0 : i32
    %eq3A_8 = vector.broadcast %eq3A : i32 to vector<128x1xi32>
    %eq3A_9 = arith.cmpi eq, %broadcast_in_dim3A, %eq3A_8 : vector<128x1xi32>
    %convert_element_type3A = arith.extui %eq3A_9 : vector<128x1xi1> to vector<128x1xi32>
    %convert_element_type3A_10 = arith.sitofp %convert_element_type3A : vector<128x1xi32> to vector<128x1xf32>
    %broadcast_in_dim3A_11 = vector.shape_cast %convert_element_type3A_10 : vector<128x1xf32> to vector<128x1xf32>
    %broadcast_in_dim3A_12 = vector.broadcast %broadcast_in_dim3A_11 : vector<128x1xf32> to vector<128x2048xf32>
    %swap3A = arith.constant 0 : index
    %swap3A_13 = arith.constant 0 : index
    %swap3A_14 = arith.constant 0 : index
    %swap3A_15 = vector.load %arg2[%swap3A, %swap3A_13, %swap3A_14] : memref<8x128x2048xf32, #tpu.memory_space<vmem>>, vector<1x128x2048xf32>
    %swap3A_16 = vector.shape_cast %swap3A_15 : vector<1x128x2048xf32> to vector<128x2048xf32>
    %swap3A_17 = vector.shape_cast %broadcast_in_dim3A_12 : vector<128x2048xf32> to vector<1x128x2048xf32>
    tpu.vector_store %arg2[%swap3A, %swap3A_13, %swap3A_14], %swap3A_17 {strides = array<i32>} : memref<8x128x2048xf32, #tpu.memory_space<vmem>>, vector<1x128x2048xf32>,
    %broadcast_in_dim3A_18 = vector.shape_cast %get3A_3 : vector<128xi32> to vector<128x1xi32>
    %eq3A_19 = arith.constant 1 : i32
    %eq3A_20 = vector.broadcast %eq3A_19 : i32 to vector<128x1xi32>
    %eq3A_21 = arith.cmpi eq, %broadcast_in_dim3A_18, %eq3A_20 : vector<128x1xi32>
    %convert_element_type3A_22 = arith.extui %eq3A_21 : vector<128x1xi1> to vector<128x1xi32>
    %convert_element_type3A_23 = arith.sitofp %convert_element_type3A_22 : vector<128x1xi32> to vector<128x1xf32>
    %broadcast_in_dim3A_24 = vector.shape_cast %convert_element_type3A_23 : vector<128x1xf32> to vector<128x1xf32>
    %broadcast_in_dim3A_25 = vector.broadcast %broadcast_in_dim3A_24 : vector<128x1xf32> to vector<128x2048xf32>
    %swap3A_26 = arith.constant 1 : index
    %swap3A_27 = arith.constant 0 : index
    %swap3A_28 = arith.constant 0 : index
    %swap3A_29 = vector.load %arg2[%swap3A_26, %swap3A_27, %swap3A_28] : memref<8x128x2048xf32, #tpu.memory_space<vmem>>, vector<1x128x2048xf32>
    %swap3A_30 = vector.shape_cast %swap3A_29 : vector<1x128x2048xf32> to vector<128x2048xf32>
    %swap3A_31 = vector.shape_cast %broadcast_in_dim3A_25 : vector<128x2048xf32> to vector<1x128x2048xf32>
    tpu.vector_store %arg2[%swap3A_26, %swap3A_27, %swap3A_28], %swap3A_31 {strides = array<i32>} : memref<8x128x2048xf32, #tpu.memory_space<vmem>>, vector<1x128x2048xf32>,
    %broadcast_in_dim3A_32 = vector.shape_cast %get3A_3 : vector<128xi32> to vector<128x1xi32>
    %eq3A_33 = arith.constant 2 : i32
    %eq3A_34 = vector.broadcast %eq3A_33 : i32 to vector<128x1xi32>
    %eq3A_35 = arith.cmpi eq, %broadcast_in_dim3A_32, %eq3A_34 : vector<128x1xi32>
    %convert_element_type3A_36 = arith.extui %eq3A_35 : vector<128x1xi1> to vector<128x1xi32>
    %convert_element_type3A_37 = arith.sitofp %convert_element_type3A_36 : vector<128x1xi32> to vector<128x1xf32>
    %broadcast_in_dim3A_38 = vector.shape_cast %convert_element_type3A_37 : vector<128x1xf32> to vector<128x1xf32>
    %broadcast_in_dim3A_39 = vector.broadcast %broadcast_in_dim3A_38 : vector<128x1xf32> to vector<128x2048xf32>
    %swap3A_40 = arith.constant 2 : index
    %swap3A_41 = arith.constant 0 : index
    %swap3A_42 = arith.constant 0 : index
    %swap3A_43 = vector.load %arg2[%swap3A_40, %swap3A_41, %swap3A_42] : memref<8x128x2048xf32, #tpu.memory_space<vmem>>, vector<1x128x2048xf32>
    %swap3A_44 = vector.shape_cast %swap3A_43 : vector<1x128x2048xf32> to vector<128x2048xf32>
    %swap3A_45 = vector.shape_cast %broadcast_in_dim3A_39 : vector<128x2048xf32> to vector<1x128x2048xf32>
    tpu.vector_store %arg2[%swap3A_40, %swap3A_41, %swap3A_42], %swap3A_45 {strides = array<i32>} : memref<8x128x2048xf32, #tpu.memory_space<vmem>>, vector<1x128x2048xf32>,
    %broadcast_in_dim3A_46 = vector.shape_cast %get3A_3 : vector<128xi32> to vector<128x1xi32>
    %eq3A_47 = arith.constant 3 : i32
    %eq3A_48 = vector.broadcast %eq3A_47 : i32 to vector<128x1xi32>
    %eq3A_49 = arith.cmpi eq, %broadcast_in_dim3A_46, %eq3A_48 : vector<128x1xi32>
    %convert_element_type3A_50 = arith.extui %eq3A_49 : vector<128x1xi1> to vector<128x1xi32>
    %convert_element_type3A_51 = arith.sitofp %convert_element_type3A_50 : vector<128x1xi32> to vector<128x1xf32>
    %broadcast_in_dim3A_52 = vector.shape_cast %convert_element_type3A_51 : vector<128x1xf32> to vector<128x1xf32>
    %broadcast_in_dim3A_53 = vector.broadcast %broadcast_in_dim3A_52 : vector<128x1xf32> to vector<128x2048xf32>
    %swap3A_54 = arith.constant 3 : index
    %swap3A_55 = arith.constant 0 : index
    %swap3A_56 = arith.constant 0 : index
    %swap3A_57 = vector.load %arg2[%swap3A_54, %swap3A_55, %swap3A_56] : memref<8x128x2048xf32, #tpu.memory_space<vmem>>, vector<1x128x2048xf32>
    %swap3A_58 = vector.shape_cast %swap3A_57 : vector<1x128x2048xf32> to vector<128x2048xf32>
    %swap3A_59 = vector.shape_cast %broadcast_in_dim3A_53 : vector<128x2048xf32> to vector<1x128x2048xf32>
    tpu.vector_store %arg2[%swap3A_54, %swap3A_55, %swap3A_56], %swap3A_59 {strides = array<i32>} : memref<8x128x2048xf32, #tpu.memory_space<vmem>>, vector<1x128x2048xf32>,
    %broadcast_in_dim3A_60 = vector.shape_cast %get3A_7 : vector<2048xi32> to vector<1x2048xi32>
    %eq3A_61 = arith.constant 0 : i32
    %eq3A_62 = vector.broadcast %eq3A_61 : i32 to vector<1x2048xi32>
    %eq3A_63 = arith.cmpi eq, %broadcast_in_dim3A_60, %eq3A_62 : vector<1x2048xi32>
    %convert_element_type3A_64 = arith.extui %eq3A_63 : vector<1x2048xi1> to vector<1x2048xi32>
    %convert_element_type3A_65 = arith.sitofp %convert_element_type3A_64 : vector<1x2048xi32> to vector<1x2048xf32>
    %broadcast_in_dim3A_66 = vector.shape_cast %convert_element_type3A_65 : vector<1x2048xf32> to vector<1x2048xf32>
    %broadcast_in_dim3A_67 = vector.broadcast %broadcast_in_dim3A_66 : vector<1x2048xf32> to vector<128x2048xf32>
    %swap3A_68 = arith.constant 4 : index
    %swap3A_69 = arith.constant 0 : index
    %swap3A_70 = arith.constant 0 : index
    %swap3A_71 = vector.load %arg2[%swap3A_68, %swap3A_69, %swap3A_70] : memref<8x128x2048xf32, #tpu.memory_space<vmem>>, vector<1x128x2048xf32>
    %swap3A_72 = vector.shape_cast %swap3A_71 : vector<1x128x2048xf32> to vector<128x2048xf32>
    %swap3A_73 = vector.shape_cast %broadcast_in_dim3A_67 : vector<128x2048xf32> to vector<1x128x2048xf32>
    tpu.vector_store %arg2[%swap3A_68, %swap3A_69, %swap3A_70], %swap3A_73 {strides = array<i32>} : memref<8x128x2048xf32, #tpu.memory_space<vmem>>, vector<1x128x2048xf32>,
    %broadcast_in_dim3A_74 = vector.shape_cast %get3A_7 : vector<2048xi32> to vector<1x2048xi32>
    %eq3A_75 = arith.constant 1 : i32
    %eq3A_76 = vector.broadcast %eq3A_75 : i32 to vector<1x2048xi32>
    %eq3A_77 = arith.cmpi eq, %broadcast_in_dim3A_74, %eq3A_76 : vector<1x2048xi32>
    %convert_element_type3A_78 = arith.extui %eq3A_77 : vector<1x2048xi1> to vector<1x2048xi32>
    %convert_element_type3A_79 = arith.sitofp %convert_element_type3A_78 : vector<1x2048xi32> to vector<1x2048xf32>
    %broadcast_in_dim3A_80 = vector.shape_cast %convert_element_type3A_79 : vector<1x2048xf32> to vector<1x2048xf32>
    %broadcast_in_dim3A_81 = vector.broadcast %broadcast_in_dim3A_80 : vector<1x2048xf32> to vector<128x2048xf32>
    %swap3A_82 = arith.constant 5 : index
    %swap3A_83 = arith.constant 0 : index
    %swap3A_84 = arith.constant 0 : index
    %swap3A_85 = vector.load %arg2[%swap3A_82, %swap3A_83, %swap3A_84] : memref<8x128x2048xf32, #tpu.memory_space<vmem>>, vector<1x128x2048xf32>
    %swap3A_86 = vector.shape_cast %swap3A_85 : vector<1x128x2048xf32> to vector<128x2048xf32>
    %swap3A_87 = vector.shape_cast %broadcast_in_dim3A_81 : vector<128x2048xf32> to vector<1x128x2048xf32>
    tpu.vector_store %arg2[%swap3A_82, %swap3A_83, %swap3A_84], %swap3A_87 {strides = array<i32>} : memref<8x128x2048xf32, #tpu.memory_space<vmem>>, vector<1x128x2048xf32>,
    %broadcast_in_dim3A_88 = vector.shape_cast %get3A_7 : vector<2048xi32> to vector<1x2048xi32>
    %eq3A_89 = arith.constant 2 : i32
    %eq3A_90 = vector.broadcast %eq3A_89 : i32 to vector<1x2048xi32>
    %eq3A_91 = arith.cmpi eq, %broadcast_in_dim3A_88, %eq3A_90 : vector<1x2048xi32>
    %convert_element_type3A_92 = arith.extui %eq3A_91 : vector<1x2048xi1> to vector<1x2048xi32>
    %convert_element_type3A_93 = arith.sitofp %convert_element_type3A_92 : vector<1x2048xi32> to vector<1x2048xf32>
    %broadcast_in_dim3A_94 = vector.shape_cast %convert_element_type3A_93 : vector<1x2048xf32> to vector<1x2048xf32>
    %broadcast_in_dim3A_95 = vector.broadcast %broadcast_in_dim3A_94 : vector<1x2048xf32> to vector<128x2048xf32>
    %swap3A_96 = arith.constant 6 : index
    %swap3A_97 = arith.constant 0 : index
    %swap3A_98 = arith.constant 0 : index
    %swap3A_99 = vector.load %arg2[%swap3A_96, %swap3A_97, %swap3A_98] : memref<8x128x2048xf32, #tpu.memory_space<vmem>>, vector<1x128x2048xf32>
    %swap3A_100 = vector.shape_cast %swap3A_99 : vector<1x128x2048xf32> to vector<128x2048xf32>
    %swap3A_101 = vector.shape_cast %broadcast_in_dim3A_95 : vector<128x2048xf32> to vector<1x128x2048xf32>
    tpu.vector_store %arg2[%swap3A_96, %swap3A_97, %swap3A_98], %swap3A_101 {strides = array<i32>} : memref<8x128x2048xf32, #tpu.memory_space<vmem>>, vector<1x128x2048xf32>,
    %broadcast_in_dim3A_102 = vector.shape_cast %get3A_7 : vector<2048xi32> to vector<1x2048xi32>
    %eq3A_103 = arith.constant 3 : i32
    %eq3A_104 = vector.broadcast %eq3A_103 : i32 to vector<1x2048xi32>
    %eq3A_105 = arith.cmpi eq, %broadcast_in_dim3A_102, %eq3A_104 : vector<1x2048xi32>
    %convert_element_type3A_106 = arith.extui %eq3A_105 : vector<1x2048xi1> to vector<1x2048xi32>
    %convert_element_type3A_107 = arith.sitofp %convert_element_type3A_106 : vector<1x2048xi32> to vector<1x2048xf32>
    %broadcast_in_dim3A_108 = vector.shape_cast %convert_element_type3A_107 : vector<1x2048xf32> to vector<1x2048xf32>
    %broadcast_in_dim3A_109 = vector.broadcast %broadcast_in_dim3A_108 : vector<1x2048xf32> to vector<128x2048xf32>
    %swap3A_110 = arith.constant 7 : index
    %swap3A_111 = arith.constant 0 : index
    %swap3A_112 = arith.constant 0 : index
    %swap3A_113 = vector.load %arg2[%swap3A_110, %swap3A_111, %swap3A_112] : memref<8x128x2048xf32, #tpu.memory_space<vmem>>, vector<1x128x2048xf32>
    %swap3A_114 = vector.shape_cast %swap3A_113 : vector<1x128x2048xf32> to vector<128x2048xf32>
    %swap3A_115 = vector.shape_cast %broadcast_in_dim3A_109 : vector<128x2048xf32> to vector<1x128x2048xf32>
    tpu.vector_store %arg2[%swap3A_110, %swap3A_111, %swap3A_112], %swap3A_115 {strides = array<i32>} : memref<8x128x2048xf32, #tpu.memory_space<vmem>>, vector<1x128x2048xf32>,
    return
  }
  func.func @transform_0(%arg0: i32) -> (i32, i32) {
    %c0_i32 = arith.constant 0 : i32
    %c0_i32_0 = arith.constant 0 : i32
    %c0_i32_1 = arith.constant 0 : i32
    return %c0_i32, %c0_i32_0 : i32, i32
  }
  func.func @transform_1(%arg0: i32) -> (i32, i32, i32) {
    %c0_i32 = arith.constant 0 : i32
    %c0_i32_0 = arith.constant 0 : i32
    %c0_i32_1 = arith.constant 0 : i32
    return %c0_i32, %arg0, %c0_i32_0 : i32, i32, i32
  }
}

</mosaic_0001>

<sc_bundles>
// kernel: kernel.4.cloned.1.call-start
scs
__scs_entry_jumppad:
0x0: {  	(pc) =	sbr.rel $0x88, $3  }
0x1: {  	(tag) =	ssettag $0x0;
	lr =	simm.s32 $0x1  }
0x2: {  	[smem:$0x3F9F] =	sst lr;
	_ =	strace $0xD0000000  }
0x3: {  	_ = 	snop  }
0x4: {  	_ = 	snop  }
0x5: {  	_ = 	snop  }
0x6: {  	_ = 	snop  }
0x7: {  	_ = 	snop  }
__scs_overlays_trampoline_lowered:
0x8: {  	[smem:$0x3FAE] =	sst s0  }
0x9: {  	[smem:$0x3FAF] =	sst s1  }
0xa: {  	[smem:$0x3FB0] =	sst s2  }
0xb: {  	[smem:$0x3FB1] =	sst s3  }
0xc: {  	[smem:$0x3FB2] =	sst s4  }
0xd: {  	[smem:$0x3FB3] =	sst s5  }
0xe: {  	[smem:$0x3FB4] =	sst s6  }
0xf: {  	[smem:$0x3FB5] =	sst s7  }
0x10: {  	[smem:$0x3FB6] =	sst s8  }
0x11: {  	[smem:$0x3FB7] =	sst s9;
	s0 =	simm.s32 @!p0 $0x0  }
0x12: {  	s1 =	sld [smem:$0x3F9D];
	s0 =	simm.s32 @p0 $0x1  }
0x13: {  	[smem:$0x3FB8] =	sst s0;
	s0 =	simm.s32 @!p1 $0x0  }
0x14: {  	s2 =	sld [smem:$0x3F9C];
	s0 =	simm.s32 @p1 $0x1  }
0x15: {  	[smem:$0x3FB9] =	sst s0;
	s0 =	simm.s32 @!p2 $0x0  }
0x16: {  	s3 =	sld [smem:$0x3FDB];
	s0 =	simm.s32 @p2 $0x1  }
0x17: {  	s4 =	simm.s32 $0x1BF5;
	[smem:$0x3FBB] =	sst s0  }
0x18: {  	s0 =	sld [smem:$0x3F9E];
	_ =	swait.ge [sflag:s4], $0x0  }
0x19: {  	s7 =	sld [smem:$0x3F9F]  }
0x1a: {  	s8 =	sadd.s32 $0xFFFFE003, lr  }
0x1b: {  	s9 =	sadd.s32 $0xFFFFFEF7, lr;
	s5 =	simm.s32 $0xFFFFFFFF;
	p2 =	slt.u32 s8, $0xFFFFF086  }
0x1c: {  	p1 =	slt.u32 s9, $0xF7A;
	s5 =	simm.s32 @!p2 $0x0  }
0x1d: {  	s5 =	simm.s32 @p1 $0x1;
	p0 =	seq.s32 s7, s2  }
0x1e: {  	s7 =	smul.u32 @!p0 $0xF7A, s2;
	p2 =	seq.s32 @!p0 s5, $0x0  }
0x1f: {  	s9 =	smul.u32 $0xF7A, s1;
	s8 =	simm.s32 @!p0 $0x1BF5;
	p2 =	por !p2, p0  }
0x20: {  	[sflag:s8] =	ssyncset.s32 @!p0 $0xFFFFF086;
	s6 =	sadd.s32 @!p0 s3, s7;
	s7 =	simm.s32 @!p0 $0x108  }
0x21: {  	s3 =	sadd.s32 s3, s9;
	s6 =	sadd.s32 @!p0 $0x88, s6;
	s7 =	simm.s32 @p2 $0x1082  }
0x22: {  	[simem:s7], [sflag:s8] =	dma.local @!p0 [hbm:s6], $0xF7A  }
0x23: {  	s9 =	sor.u32 $0xD0000000, s2;
	s6 =	simm.s32 $0x108;
	_ =	swait.ge @!p0 [sflag:s8], $0x0  }
0x24: {  	s3 =	sadd.s32 $0x88, s3;
	s6 =	simm.s32 @!p1 $0x1082;
	[sflag:s4] =	ssyncset.s32 $0xFFFFF086  }
0x25: {  	[simem:s6], [sflag:s4] =	dma.local [hbm:s3], $0xF7A  }
0x26: {  	[smem:$0x3F9F] =	sst s1;
	(tag) =	ssettag s2;
	_ =	strace s9  }
0x27: {  	s1 =	sld [smem:$0x3FAF]  }
0x28: {  	s2 =	sld [smem:$0x3FB0]  }
0x29: {  	s4 =	sld [smem:$0x3FB2]  }
0x2a: {  	p0 =	seq.s32 s5, $0x0;
	s5 =	sld [smem:$0x3FB3]  }
0x2b: {  	s6 =	sld [smem:$0x3FB4]  }
0x2c: {  	s7 =	sld [smem:$0x3FB5]  }
0x2d: {  	s3 =	simm.s32 $0x108;
	s8 =	sld [smem:$0x3FB6]  }
0x2e: {  	s3 =	simm.s32 @!p0 $0x1082;
	s9 =	sld [smem:$0x3FB7]  }
0x2f: {  	lr =	sadd.s32 s0, s3;
	s0 =	sld [smem:$0x3FAE]  }
0x30: {  	s3 =	sld [smem:$0x3FB1]  }
0x31: {  	[smem:$0x3FBA] =	sst s10  }
0x32: {  	s10 =	sld [smem:$0x3FB8];
	_ =	sdelay $0x3  }
0x33: {  	p0 =	seq.s32 s10, $0x1;
	s10 =	sld [smem:$0x3FBA];
	_ =	sdelay $0x3  }
0x34: {  	[smem:$0x3FBA] =	sst s10  }
0x35: {  	s10 =	sld [smem:$0x3FB9];
	_ =	sdelay $0x3  }
0x36: {  	p1 =	seq.s32 s10, $0x1;
	s10 =	sld [smem:$0x3FBA];
	_ =	sdelay $0x3  }
0x37: {  	[smem:$0x3FBA] =	sst s10  }
0x38: {  	s10 =	sld [smem:$0x3FBB]  }
0x39: {  	_ = 	snop;
	(pc) =	sbr.ind lr, $3  }
0x3a: {  	_ = 	snop  }
0x3b: {  	_ = 	snop  }
0x3c: {  	p2 =	seq.s32 s10, $0x1;
	s10 =	sld [smem:$0x3FBA]  }
0x3d: {  	_ =	shalt  }
0x3e: {  	_ =	shalt  }
0x3f: {  	_ =	shalt  }
0x40: {  	_ =	shalt  }
0x41: {  	_ =	shalt  }
0x42: {  	_ =	shalt  }
0x43: {  	_ =	shalt  }
0x44: {  	_ =	shalt  }
0x45: {  	_ =	shalt  }
0x46: {  	_ =	shalt  }
0x47: {  	_ =	shalt  }
0x48: {  	_ =	shalt  }
0x49: {  	_ =	shalt  }
0x4a: {  	_ =	shalt  }
0x4b: {  	_ =	shalt  }
0x4c: {  	_ =	shalt  }
0x4d: {  	_ =	shalt  }
0x4e: {  	_ =	shalt  }
0x4f: {  	_ =	shalt  }
0x50: {  	_ =	shalt  }
0x51: {  	_ =	shalt  }
0x52: {  	_ =	shalt  }
0x53: {  	_ =	shalt  }
0x54: {  	_ =	shalt  }
0x55: {  	_ =	shalt  }
0x56: {  	_ =	shalt  }
0x57: {  	_ =	shalt  }
0x58: {  	_ =	shalt  }
0x59: {  	_ =	shalt  }
0x5a: {  	_ =	shalt  }
0x5b: {  	_ =	shalt  }
0x5c: {  	_ =	shalt  }
0x5d: {  	_ =	shalt  }
0x5e: {  	_ =	shalt  }
0x5f: {  	_ =	shalt  }
0x60: {  	_ =	shalt  }
0x61: {  	_ =	shalt  }
0x62: {  	_ =	shalt  }
0x63: {  	_ =	shalt  }
0x64: {  	_ =	shalt  }
0x65: {  	_ =	shalt  }
0x66: {  	_ =	shalt  }
0x67: {  	_ =	shalt  }
0x68: {  	_ =	shalt  }
0x69: {  	_ =	shalt  }
0x6a: {  	_ =	shalt  }
0x6b: {  	_ =	shalt  }
0x6c: {  	_ =	shalt  }
0x6d: {  	_ =	shalt  }
0x6e: {  	_ =	shalt  }
0x6f: {  	_ =	shalt  }
0x70: {  	_ =	shalt  }
0x71: {  	_ =	shalt  }
0x72: {  	_ =	shalt  }
0x73: {  	_ =	shalt  }
0x74: {  	_ =	shalt  }
0x75: {  	_ =	shalt  }
0x76: {  	_ =	shalt  }
0x77: {  	_ =	shalt  }
0x78: {  	_ =	shalt  }
0x79: {  	_ =	shalt  }
0x7a: {  	_ =	shalt  }
0x7b: {  	_ =	shalt  }
0x7c: {  	_ =	shalt  }
0x7d: {  	_ =	shalt  }
0x7e: {  	_ =	shalt  }
0x7f: {  	_ =	shalt  }
0x80: {  	_ =	shalt  }
0x81: {  	_ =	shalt  }
0x82: {  	_ =	shalt  }
0x83: {  	_ =	shalt  }
0x84: {  	_ =	shalt  }
0x85: {  	_ =	shalt  }
0x86: {  	_ =	shalt  }
0x87: {  	_ =	shalt  }
.Lfunc_end0:
.L_simem_size_0:
called_computation_lowered:
.L_overlay_start_0:
0x88: {  	s0 =	sld [smem:$0x3FD9]  }
0x89: {  	s1 =	sld [smem:$0x3FFE];
	_ =	sdelay $0x3  }
0x8a: {  	s0 =	sadd.s32 s1, s0  }
0x8b: {  	[smem:$0x3FC6] =	sst s0  }
0x8c: {  	_ = 	snop  }
0x8d: {  	s0 =	sld [smem:$0x3FD0];
	_ =	sdelay $0x2  }
0x8e: {  	s2 =	simm.s32 $0xA;
	s3 =	simm.s32 $0x10;
	s14 =	sld [smem:$0x3FC8]  }
0x8f: {  	[smem:s3], [sflag:s2] =	dma.local [hbm:s0], $0x1  }
0x90: {  	_ =	swait.eq [sflag:s2], $0x1  }
0x91: {  	[sflag:s2] =	ssyncset.done $0x0  }
0x92: {  	[sflag:s2] =	ssyncadd.s32 $0xFFFFFFFF  }
0x93: {  	s15 =	sld [smem:$0x11];
	(tm) =	ssettm $0x1  }
0x94: {  	s16 =	sld [smem:$0x3FFB];
	_ =	sdelay $0x3  }
0x95: {  	_ =	strace s16  }
0x96: {  	s2 =	sld [smem:$0x3FFC];
	_ =	sdelay $0x3  }
0x97: {  	_ =	strace s2  }
0x98: {  	s2 =	sld [smem:$0x3FFD];
	_ =	sdelay $0x3  }
0x99: {  	_ =	strace s2  }
0x9a: {  	_ =	strace $0x8FFFFFFF  }
0x9b: {  	s17 =	sld [smem:$0x3FDB];
	_ =	sdelay $0x1  }
0x9c: {  	s18 =	simm.s32 $_scs_section_size  }
0x9d: {  	s4 =	simm.s32 $_size__tile_overlayer_lowered;
	s5 =	simm.s32 $_tile_overlayer_lowered  }
0x9e: {  	s21 =	simm.s32 $0x1BFF;
	s20 =	sshll.u32 s5, $0x1;
	s2 =	sadd.s32 s18, s17  }
0x9f: {  	s6 =	simm.s32 $0x0;
	s19 =	sshll.u32 s4, $0x1;
	s4 =	sadd.s32 s20, s2  }
0xa0: {  	[timem:s6], [sflag:s21] =	dma.local [hbm:s4], s19  }
0xa1: {  	_ =	swait.ge [sflag:s21], s19  }
0xa2: {  	s3 =	ssub.s32 $0x0, s19;
	[sflag:s21] =	ssyncset.done $0x0  }
0xa3: {  	[sflag:s21] =	ssyncadd.s32 s3;
	_ =	sdelay $0x1  }
0xa4: {  	s22 =	simm.s32 $0x1B8B  }
0xa5: {  	_ =	swait.ge [sflag:s22], $0x1  }
0xa6: {  	[sflag:s22] =	ssyncset.done $0x0  }
0xa7: {  	s23 =	simm.s32 $0x1B8E;
	[sflag:s22] =	ssyncadd.s32 $0xFFFFFFFF  }
0xa8: {  	s24 =	simm.s32 $execute0_lowered;
	[smem:$0x3FD2] =	sst s23  }
0xa9: {  	s3 =	sshll.u32 s24, $0x1;
	_ =	strace $0x80000046;
	[dreg:$0x1] =	wrdreg $0xFFFFFFFF  }
0xaa: {  	s25 =	simm.s32 $_size_execute0_lowered;
	s2 =	sadd.s32 s2, s3;
	[dreg:$0x0] =	wrdreg $0x0  }
0xab: {  	s3 =	sshll.u32 s25, $0x1;
	[dreg:$0x2] =	wrdreg s2  }
0xac: {  	[dreg:$0x3] =	wrdreg s3  }
0xad: {  	[dreg:$0x4] =	wrdreg $0xC0  }
0xae: {  	_ =	task [dreg:s6], $0x5FFFF  }
0xaf: {  	[dreg:$0x1] =	wrdreg $0xFFFFFFFF  }
0xb0: {  	[dreg:$0x0] =	wrdreg $0x60  }
0xb1: {  	[dreg:$0x2] =	wrdreg s14  }
0xb2: {  	[dreg:$0x3] =	wrdreg s15  }
0xb3: {  	[dreg:$0x4] =	wrdreg $0x9  }
0xb4: {  	_ =	task.clear_ibuf [dreg:s6], $0x5FFFF;
	_ =	strace $0x90000046  }
0xb5: {  	s26 =	simm.s32 $0x9;
	_ =	strace $0x80000048  }
0xb6: {  	_ =	swait.ge [sflag:s26], $0x1  }
0xb7: {  	[sflag:s26] =	ssyncadd.s32 $0xFFFFFFFF  }
0xb8: {  	_ =	strace $0x90000048  }
0xb9: {  	_ =	sfence  }
0xba: {  	s28 =	sld [smem:$0x0];
	_ =	sdelay $0x1  }
0xbb: {  	s29 =	srdreg.scid  }
0xbc: {  	s30 =	sshll.u32 s29, $0xD;
	s31 =	sshrl.u32 s29, $0x2  }
0xbd: {  	s1 =	sand.u32 $0x1, s29;
	s2 =	sand.u32 $0x4000, s30;
	s0 =	sadd.s32 s31, s28  }
0xbe: {  	s1 =	sor.u32 s2, s1;
	s0 =	sshll.u32 s0, $0x11  }
0xbf: {  	s0 =	sor.u32 s0, s1  }
0xc0: {  	s0 =	sadd.s32 $0x8F2B, s0  }
0xc1: {  	[sflag:s0] =	ssyncadd.remote.s32 $0x1  }
0xc2: {  	_ =	sfence.sel $0xFFFF  }
0xc3: {  	[dreg:$0x0] =	wrdreg $0xFFFFFFFF;
	(pc) =	sbr.abs _section_cstart, $3  }
0xc4: {  	[dreg:$0x1] =	wrdreg $0xFFFFFFFF  }
0xc5: {  	_ =	task.clear_ibuf [dreg:s6], $0x2FFFF;
	_ =	strace $0x9FFFFFFF  }
0xc6: {  	(tm) =	ssettm $0x7FFFFFFF  }
0xc7: {  	_ =	shalt  }
tec
execute0_lowered:
.L_overlay_start_1:
0x0: {  	(tag) =	ssettag $0x1  }
0x1: {  	s2 =	rddreg [dreg:$0x0]  }
0x2: {  	s5 =	rddreg [dreg:$0x1]  }
0x3: {  	s0 =	rddreg [dreg:$0x2];
	s3 =	simm.s32 $0x0  }
0x4: {  	[smem:$0x7FF] =	sst s3  }
0x5: {  	s1 =	stileid.u32;
	v0 =	vimm.f32 $0.0e+00;
	s4 =	simm.s32 $0x0;
	_ =	strace $0x80000047  }
.LBB2_1:
0x6: {  	s6 =	sshll.u32 s4, $0xB;
	s7 =	sshll.u32 s4, $0x7  }
0x7: {  	s6 =	sand.u32 $0x4000, s6;
	s7 =	sand.u32 $0x380, s7  }
0x8: {  	s6 =	sor.u32 s7, s6  }
0x9: {  	s31 =	sand.u32 $0x3C00, s3;
	s6 =	sadd.s32 $0x80, s6  }
0xa: {  	s8 =	sand.u32 $0x70, s3;
	s9 =	sadd.s32 s31, s6  }
0xb: {  	s7 =	simm.s32 $0x10;
	s9 =	sadd.s32 s8, s9;
	s8 =	simm.s32 $0x0  }
.LBB2_2:
0xc: {  	p0 =	sne.s32 s7, $0x7F0  }
0xd: {  	[tilespmem:s9+$0x0] =	vst v0;
	s8 =	sadd.s32 $0x80, s8;
	s9 =	smov.u32 s7;
	s7 =	sadd.s32 $0x10, s7  }
.Ltmp0:
0xe: {  	(pc) =	sbr.rel @p0 .LBB2_2-.Ltmp0, $4  }
0xf: {  	_ = 	snop  }
0x10: {  	s10 =	sand.u32 $0x3C00, s8  }
0x11: {  	s9 =	sand.u32 $0x70, s9;
	s10 =	sadd.s32 s10, s6  }
0x12: {  	s9 =	sadd.s32 s9, s10  }
0x13: {  	s4 =	sadd.s32 $0x1, s4  }
0x14: {  	p0 =	sne.s32 s4, $0x10  }
.Ltmp1:
0x15: {  	_ = 	snop;
	(pc) =	sbr.rel @p0 .LBB2_1-.Ltmp1, $2  }
0x16: {  	_ =	sdelay $0x2  }
0x17: {  	[tilespmem:s9+$0x0] =	vst v0  }
0x18: {  	v0 =	vimm.s32 $0x4380;
	vm0 =	vcmask $0x300  }
0x19: {  	vm14 =	vcmask $0x704;
	s3 =	sshll.u32 s1, $0x4;
	v0 =	vsel vm0, $0x0, v0  }
0x1a: {  	vm15 =	vcmask $0xB08;
	s4 =	sadd.s32 s3, s2;
	v0 =	vsel vm14, $0x80, v0  }
0x1b: {  	vm4 =	vcmask $0xF0C;
	s3 =	simm.s32 $0x0;
	s2 =	simm.s32 $0x1;
	s6 =	sadd.s32 $0x0, s4;
	v0 =	vsel vm15, $0x100, v0  }
0x1c: {  	vm5 =	vcmask $0x1310;
	[tilespmem:s3], [sflag:$0x1] =	stream.linear.gather [hbm4b:s6+s3], $0x10, $0x38;
	v0 =	vsel vm4, $0x180, v0;
	[tilespmem:$0x8080] =	vst v63  }
0x1d: {  	vm6 =	vcmask $0x1714;
	_ =	swait.ge [sflag:s2], $0x10;
	v0 =	vsel vm5, $0x200, v0  }
0x1e: {  	vm7 =	vcmask $0x1B18;
	[sflag:s2] =	ssyncset.done $0x0;
	v0 =	vsel vm6, $0x280, v0  }
0x1f: {  	vm8 =	vcmask $0x1F1C;
	[sflag:s2] =	ssyncadd.s32 $0xFFFFFFF0;
	v0 =	vsel vm7, $0x300, v0  }
0x20: {  	vm9 =	vcmask $0x2320;
	v1 =	vld [tilespmem:$0x0];
	v0 =	vsel vm8, $0x380, v0  }
0x21: {  	vm10 =	vcmask $0x2724;
	v0 =	vsel vm9, $0x4000, v0  }
0x22: {  	vm11 =	vcmask $0x2B28;
	v0 =	vsel vm10, $0x4080, v0  }
0x23: {  	vm12 =	vcmask $0x2F2C;
	v0 =	vsel vm11, $0x4100, v0  }
0x24: {  	vm13 =	vcmask $0x3330;
	vm14 =	vcmask $0x3734;
	v0 =	vsel vm12, $0x4180, v0  }
0x25: {  	vm15 =	vcmask $0x3B38;
	v2 =	vshll.u32 v1, $0x3;
	v0 =	vsel vm13, $0x4200, v0  }
0x26: {  	v1 =	vand.u32 $0x7F, v1;
	v2 =	vand.u32 $0xFFFFFC00, v2;
	v0 =	vsel vm14, $0x4280, v0  }
0x27: {  	v1 =	vor.u32 v1, v2;
	v0 =	vsel vm15, $0x4300, v0  }
0x28: {  	v3 =	vadd.s32 v0, v1;
	_ =	sdelay $0x3  }
0x29: {  	s7 =	sshll.u32 s1, $0xF;
	s6 =	simm.s32 $0x80;
	v1 =	vimm.f32 $1.000000000e+00  }
0x2a: {  	s5 =	sadd.s32 s7, s5;
	[tilespmem:v3+s6+$0x0] =	vst.idx.msk $0xffff, v1  }
0x2b: {  	[hbm4b:s5+s3] =	stream.linear.scatter [tilespmem:s6], [sflag:$0x1], $0x8000, $0x38;
	[tilespmem:$0x8080] =	vst v63  }
0x2c: {  	_ =	swait.ge [sflag:s2], $0x8000  }
0x2d: {  	[sflag:s2] =	ssyncset.done $0x0  }
0x2e: {  	s8 =	simm.s32 $0x4;
	s7 =	simm.s32 $0x2;
	v2 =	vimm.f32 $0.0e+00;
	[sflag:s2] =	ssyncadd.s32 $0xFFFF8000  }
.LBB2_5:
0x2f: {  	s9 =	sadd.s32 s7, s4  }
0x30: {  	[tilespmem:v3+s6+$0x0] =	vst.idx.msk $0xffff, v2;
	s5 =	sadd.s32 $0x1000, s5;
	s7 =	smov.u32 s8;
	s10 =	sadd.s32 $0x2, s8  }
0x31: {  	[tilespmem:s3], [sflag:$0x1] =	stream.linear.gather [hbm4b:s9+s3], $0x10, $0x38;
	[tilespmem:$0x8080] =	vst v63  }
0x32: {  	p0 =	sne.s32 s8, $0xE;
	_ =	swait.ge [sflag:s2], $0x10  }
0x33: {  	[sflag:s2] =	ssyncset.done $0x0  }
0x34: {  	[sflag:s2] =	ssyncadd.s32 $0xFFFFFFF0  }
0x35: {  	v3 =	vld [tilespmem:$0x0];
	_ =	sdelay $0x4  }
0x36: {  	v4 =	vshll.u32 v3, $0x3  }
0x37: {  	v3 =	vand.u32 $0x7F, v3;
	v4 =	vand.u32 $0xFFFFFC00, v4  }
0x38: {  	v3 =	vor.u32 v3, v4  }
0x39: {  	v3 =	vadd.s32 v0, v3;
	_ =	sdelay $0x4  }
.Ltmp2:
0x3a: {  	[tilespmem:v3+s6+$0x0] =	vst.idx.msk $0xffff, v1;
	(pc) =	sbr.rel @p0 .LBB2_5-.Ltmp2, $4  }
0x3b: {  	[hbm4b:s5+s3] =	stream.linear.scatter [tilespmem:s6], [sflag:$0x1], $0x8000, $0x38;
	[tilespmem:$0x8080] =	vst v63  }
0x3c: {  	_ =	swait.ge [sflag:s2], $0x8000  }
0x3d: {  	[sflag:s2] =	ssyncset.done $0x0  }
0x3e: {  	s8 =	smov.u32 s10;
	[sflag:s2] =	ssyncadd.s32 $0xFFFF8000  }
0x3f: {  	_ =	sdelay $0x3  }
0x40: {  	s4 =	sadd.s32 s7, s4;
	[tilespmem:v3+s6+$0x0] =	vst.idx.msk $0xffff, v2  }
0x41: {  	[tilespmem:s3], [sflag:$0x1] =	stream.linear.gather [hbm4b:s4+s3], $0x10, $0x38;
	[tilespmem:$0x8080] =	vst v63  }
0x42: {  	_ =	swait.ge [sflag:s2], $0x10  }
0x43: {  	[sflag:s2] =	ssyncset.done $0x0  }
0x44: {  	[sflag:s2] =	ssyncadd.s32 $0xFFFFFFF0  }
0x45: {  	v63 =	vld [tilespmem:$0x0];
	_ =	sdelay $0x4  }
0x46: {  	v4 =	vshll.u32 v63, $0x3  }
0x47: {  	v3 =	vand.u32 $0x7F, v63;
	v4 =	vand.u32 $0xFFFFFC00, v4  }
0x48: {  	v3 =	vor.u32 v3, v4  }
0x49: {  	v0 =	vadd.s32 v0, v3;
	_ =	sdelay $0x4  }
0x4a: {  	s31 =	sadd.s32 $0x1000, s5;
	[tilespmem:v0+s6+$0x0] =	vst.idx.msk $0xffff, v1  }
0x4b: {  	[hbm4b:s31+s3] =	stream.linear.scatter [tilespmem:s6], [sflag:$0x1], $0x8000, $0x38;
	[tilespmem:$0x8080] =	vst v63  }
0x4c: {  	_ =	swait.ge [sflag:s2], $0x8000  }
0x4d: {  	[sflag:s2] =	ssyncset.done $0x0  }
0x4e: {  	[sflag:s2] =	ssyncadd.s32 $0xFFFF8000  }
0x4f: {  	[tilespmem:v0+s6+$0x0] =	vst.idx.msk $0xffff, v2  }
0x50: {  	_ =	sfence.sel $0x180000  }
0x51: {  	[bflag:$0x0] =	sbarrier.arrive $0xFFFF  }
0x52: {  	p0 =	sne.s32 s1, $0x0;
	_ =	strace $0x90000047  }
0x53: {  	s0 =	sadd.s32 @!p0 $0x100000, s0;
	[bflag:$0x2] =	sbarrier.arrive $0xFFFF  }
0x54: {  	[sflag:s0] =	ssyncadd.tile.s32 @!p0 $0x1;
	_ =	shalt  }
.Lfunc_end2:
_tile_overlayer_lowered:
.L_overlay_start_2:
0x55: {  	(tag) =	ssettag $0x2  }
0x56: {  	s0 =	rddreg [dreg:$0x0];
	s2 =	stileid.u32  }
0x57: {  	s1 =	rddreg [dreg:$0x1];
	p0 =	sne.s32 s2, $0x0  }
0x58: {  	s3 =	rddreg [dreg:$0x2];
	[bflag:$0x3] =	sbarrier.arrive $0xFFFF;
	s2 =	simm.s32 @!p0 $0x1C01  }
0x59: {  	[timem:s3], [sflag:s2] =	dma.local @!p0 [hbm:s0], s1  }
0x5a: {  	s0 =	simm.s32 @!p0 $0x1  }
0x5b: {  	_ =	swait.ge @!p0 [sflag:s0], s1  }
0x5c: {  	s1 =	ssub.s32 @!p0 $0x0, s1;
	[sflag:s0] =	ssyncset.done @!p0 $0x0  }
0x5d: {  	[sflag:s0] =	ssyncadd.s32 @!p0 s1  }
0x5e: {  	[bflag:$0x3] =	sbarrier.arrive $0xFFFF  }
0x5f: {  	_ =	shalt  }

</sc_bundles>
